<compile_context>
chip_gen: v7x
topology: tpu7x:2x2x1
jax: 0.10.2.dev20260603
libtpu: 0.0.44.dev20260713+nightly
codegen_flags: <defaults>
</compile_context>

<pallas_src>
import functools

import jax
import jax.numpy as jnp
from jax import lax
from jax.experimental import pallas as pl
from jax.experimental.pallas import tpu as pltpu
from jax.experimental.pallas import tpu_sc as plsc

B = 4
C = 4
N1 = 16384

NC = 2
NS = 16
NW = NC * NS
CHUNKS_PER_ROW = NW // (B * C)
CHUNK = N1 // CHUNKS_PER_ROW

_MESH = plsc.VectorSubcoreMesh(core_axis_name="c", subcore_axis_name="s")


@functools.partial(
    pl.kernel,
    mesh=_MESH,
    out_type=jax.ShapeDtypeStruct((B, C, N1), jnp.float32),
    scratch_types=[
        pltpu.VMEM((CHUNK,), jnp.float32),
        pltpu.SemaphoreType.DMA,
        pltpu.SemaphoreType.DMA,
    ],
    compiler_params=pltpu.CompilerParams(needs_layout_passes=False),
)
def _copy_sc(src_hbm, out_hbm, buf, sem_in, sem_out):
    wid = lax.axis_index("s") * NC + lax.axis_index("c")
    row = wid // CHUNKS_PER_ROW
    b = row // C
    c = row % C
    off = (wid % CHUNKS_PER_ROW) * CHUNK
    pltpu.make_async_copy(
        src_hbm.at[b, c, pl.ds(off, CHUNK)], buf, sem_in
    ).start()
    pltpu.make_async_copy(
        src_hbm.at[b, c, pl.ds(off, CHUNK)], buf, sem_in
    ).wait()
    pltpu.make_async_copy(
        buf, out_hbm.at[b, c, pl.ds(off, CHUNK)], sem_out
    ).start()
    pltpu.make_async_copy(
        buf, out_hbm.at[b, c, pl.ds(off, CHUNK)], sem_out
    ).wait()


def kernel(source, target, T_prev):
    del target, T_prev
    out = _copy_sc(source)
    return jnp.transpose(out, (0, 2, 1))

# --- scband reference (transcript-rebuilt; emitter-appended) ---
"""Pipeline reference for scband-deep-vcp-35064113005004 (READ-ONLY COPY).

The authoritative reference and input builder live on the scoring server;
editing this copy changes nothing except your own understanding.
"""

import jax, jax.numpy as jnp
import numpy as np

B = 4
C = 4
N1 = 16384
N2 = 16384


def setup_inputs(seed: int = 0) -> dict:
    key = jax.random.key(seed)
    k1, k2, k3 = jax.random.split(key, 3)
    source = jax.random.normal(k1, (B, C, N1), dtype=jnp.float32)
    target = jax.random.normal(k2, (B, C, N2), dtype=jnp.float32)
    T_prev = jax.random.normal(k3, (B, 4, 4), dtype=jnp.float32)
    return {"source": source, "target": target, "T_prev": T_prev}


def reference(source, target, T_prev):
    # Faithful translation of DeepVCP.forward's RETURN VALUE.
    # In the original torch code, `source` is permuted to (0, 2, 1) mid-forward
    # and that permuted tensor is what `forward` returns. All of the feature
    # extraction (PointNet++ set abstraction / feature propagation), the
    # weighting-layer top-k keypoint selection, the ball-query grouping
    # (query_ball_point + index_points gathers), and the candidate
    # correspondence construction on `target` are computed but never
    # contribute to the returned tensor (deep_feature_target is discarded).
    # Those intermediates also depend on nn.Dropout(0.7) randomness and
    # hard-coded .cuda() calls, so they are not deterministically
    # reproducible; the returned output, however, is exactly the permuted
    # source point cloud.
    out = jnp.transpose(source, (0, 2, 1))  # [B, N1, C]
    return out

if __name__ == "__main__":
    import jax
    _d = setup_inputs()
    print(jax.jit(kernel)(*tuple(_d.values())))

</pallas_src>

<mosaic_0001>
#map = affine_map<(d0, d1) -> (0, 0, 0)>
module attributes {stable_mosaic.version = 14 : i64} {
  func.func @_copy_sc(%arg0: i32, %arg1: i32, %arg2: memref<4x4x16384xf32, #tpu.memory_space<hbm>>, %arg3: memref<4x4x16384xf32, #tpu.memory_space<hbm>>, %arg4: memref<8192xf32, #tpu.memory_space<vmem>>, %arg5: memref<!tpu.dma_semaphore, #tpu.memory_space<semaphore_mem>>, %arg6: memref<!tpu.dma_semaphore, #tpu.memory_space<semaphore_mem>>) attributes {dimension_semantics = [#tpu.dimension_semantics<core_parallel>, #tpu.dimension_semantics<subcore_parallel>], iteration_bounds = array<i64: 2, 16>, scalar_prefetch = 0 : i64, scratch_operands = 3 : i64, tpu.core_type = #tpu.core_type<sc_vector_subcore>, window_params = [{transform_indices = #map}, {transform_indices = #map}]} {
    %mul3A = arith.constant 2 : i32
    %mul3A_0 = arith.muli %arg1, %mul3A : i32
    %add3A = arith.addi %mul3A_0, %arg0 : i32
    %jit3A = arith.constant 2 : i32
    %div3A = arith.divsi %add3A, %jit3A : i32
    %sign3A = arith.constant 0 : i32
    %sign3A_1 = arith.cmpi sgt, %add3A, %sign3A : i32
    %sign3A_2 = arith.extui %sign3A_1 : i1 to i32
    %sign3A_3 = arith.constant 0 : i32
    %sign3A_4 = arith.cmpi slt, %add3A, %sign3A_3 : i32
    %sign3A_5 = arith.extui %sign3A_4 : i1 to i32
    %sign3A_6 = arith.subi %sign3A_2, %sign3A_5 : i32
    %sign3A_7 = arith.constant 0 : i32
    %sign3A_8 = arith.cmpi sgt, %jit3A, %sign3A_7 : i32
    %sign3A_9 = arith.extui %sign3A_8 : i1 to i32
    %sign3A_10 = arith.constant 0 : i32
    %sign3A_11 = arith.cmpi slt, %jit3A, %sign3A_10 : i32
    %sign3A_12 = arith.extui %sign3A_11 : i1 to i32
    %sign3A_13 = arith.subi %sign3A_9, %sign3A_12 : i32
    %ne3A = arith.cmpi ne, %sign3A_6, %sign3A_13 : i32
    %rem3A = arith.remsi %add3A, %jit3A : i32
    %ne3A_14 = arith.constant 0 : i32
    %ne3A_15 = arith.cmpi ne, %rem3A, %ne3A_14 : i32
    %and3A = arith.andi %ne3A, %ne3A_15 : i1
    %sub3A = arith.constant 1 : i32
    %sub3A_16 = arith.subi %div3A, %sub3A : i32
    %select_n3A = arith.select %and3A, %sub3A_16, %div3A : i32
    %jit3A_17 = arith.constant 4 : i32
    %div3A_18 = arith.divsi %select_n3A, %jit3A_17 : i32
    %sign3A_19 = arith.constant 0 : i32
    %sign3A_20 = arith.cmpi sgt, %select_n3A, %sign3A_19 : i32
    %sign3A_21 = arith.extui %sign3A_20 : i1 to i32
    %sign3A_22 = arith.constant 0 : i32
    %sign3A_23 = arith.cmpi slt, %select_n3A, %sign3A_22 : i32
    %sign3A_24 = arith.extui %sign3A_23 : i1 to i32
    %sign3A_25 = arith.subi %sign3A_21, %sign3A_24 : i32
    %sign3A_26 = arith.constant 0 : i32
    %sign3A_27 = arith.cmpi sgt, %jit3A_17, %sign3A_26 : i32
    %sign3A_28 = arith.extui %sign3A_27 : i1 to i32
    %sign3A_29 = arith.constant 0 : i32
    %sign3A_30 = arith.cmpi slt, %jit3A_17, %sign3A_29 : i32
    %sign3A_31 = arith.extui %sign3A_30 : i1 to i32
    %sign3A_32 = arith.subi %sign3A_28, %sign3A_31 : i32
    %ne3A_33 = arith.cmpi ne, %sign3A_25, %sign3A_32 : i32
    %rem3A_34 = arith.remsi %select_n3A, %jit3A_17 : i32
    %ne3A_35 = arith.constant 0 : i32
    %ne3A_36 = arith.cmpi ne, %rem3A_34, %ne3A_35 : i32
    %and3A_37 = arith.andi %ne3A_33, %ne3A_36 : i1
    %sub3A_38 = arith.constant 1 : i32
    %sub3A_39 = arith.subi %div3A_18, %sub3A_38 : i32
    %select_n3A_40 = arith.select %and3A_37, %sub3A_39, %div3A_18 : i32
    %jit3A_41 = arith.constant 4 : i32
    %eq3A = arith.constant 0 : i32
    %eq3A_42 = arith.cmpi eq, %jit3A_41, %eq3A : i32
    %jit3A_43 = arith.constant 1 : i32
    %select_n3A_44 = arith.select %eq3A_42, %jit3A_43, %jit3A_41 : i32
    %rem3A_45 = arith.remsi %select_n3A, %select_n3A_44 : i32
    %ne3A_46 = arith.constant 0 : i32
    %ne3A_47 = arith.cmpi ne, %rem3A_45, %ne3A_46 : i32
    %lt3A = arith.constant 0 : i32
    %lt3A_48 = arith.cmpi slt, %rem3A_45, %lt3A : i32
    %lt3A_49 = arith.constant 0 : i32
    %lt3A_50 = arith.cmpi slt, %select_n3A_44, %lt3A_49 : i32
    %ne3A_51 = arith.xori %lt3A_48, %lt3A_50 : i1
    %and3A_52 = arith.andi %ne3A_51, %ne3A_47 : i1
    %add3A_53 = arith.addi %rem3A_45, %select_n3A_44 : i32
    %select_n3A_54 = arith.select %and3A_52, %add3A_53, %rem3A_45 : i32
    %jit3A_55 = arith.constant 2 : i32
    %eq3A_56 = arith.constant 0 : i32
    %eq3A_57 = arith.cmpi eq, %jit3A_55, %eq3A_56 : i32
    %jit3A_58 = arith.constant 1 : i32
    %select_n3A_59 = arith.select %eq3A_57, %jit3A_58, %jit3A_55 : i32
    %rem3A_60 = arith.remsi %add3A, %select_n3A_59 : i32
    %ne3A_61 = arith.constant 0 : i32
    %ne3A_62 = arith.cmpi ne, %rem3A_60, %ne3A_61 : i32
    %lt3A_63 = arith.constant 0 : i32
    %lt3A_64 = arith.cmpi slt, %rem3A_60, %lt3A_63 : i32
    %lt3A_65 = arith.constant 0 : i32
    %lt3A_66 = arith.cmpi slt, %select_n3A_59, %lt3A_65 : i32
    %ne3A_67 = arith.xori %lt3A_64, %lt3A_66 : i1
    %and3A_68 = arith.andi %ne3A_67, %ne3A_62 : i1
    %add3A_69 = arith.addi %rem3A_60, %select_n3A_59 : i32
    %select_n3A_70 = arith.select %and3A_68, %add3A_69, %rem3A_60 : i32
    %mul3A_71 = arith.constant 8192 : i32
    %mul3A_72 = arith.muli %select_n3A_70, %mul3A_71 : i32
    %dma_start3A = tpu.memref_slice %arg2[%select_n3A_40, %select_n3A_54, %mul3A_72] : memref<4x4x16384xf32, #tpu.memory_space<hbm>> -> memref<1x1x8192xf32, #tpu.memory_space<hbm>>
    %dma_start3A_73 = tpu.memref_squeeze %dma_start3A : memref<1x1x8192xf32, #tpu.memory_space<hbm>> -> memref<8192xf32, #tpu.memory_space<hbm>>
    %dma_start3A_74 = tpu.memref_slice %arg2[%select_n3A_40, %select_n3A_54, %mul3A_72] : memref<4x4x16384xf32, #tpu.memory_space<hbm>> -> memref<1x1x8192xf32, #tpu.memory_space<hbm>>
    %dma_start3A_75 = tpu.memref_squeeze %dma_start3A_74 : memref<1x1x8192xf32, #tpu.memory_space<hbm>> -> memref<8192xf32, #tpu.memory_space<hbm>>
    tpu.enqueue_dma source(%dma_start3A_75 : memref<8192xf32, #tpu.memory_space<hbm>>) target(%arg4 : memref<8192xf32, #tpu.memory_space<vmem>>) target_semaphore(%arg5 : memref<!tpu.dma_semaphore, #tpu.memory_space<semaphore_mem>>)
    %dma_wait3A = tpu.memref_slice %arg2[%select_n3A_40, %select_n3A_54, %mul3A_72] : memref<4x4x16384xf32, #tpu.memory_space<hbm>> -> memref<1x1x8192xf32, #tpu.memory_space<hbm>>
    %dma_wait3A_76 = tpu.memref_squeeze %dma_wait3A : memref<1x1x8192xf32, #tpu.memory_space<hbm>> -> memref<8192xf32, #tpu.memory_space<hbm>>
    %dma_wait3A_77 = tpu.memref_slice %arg2[%select_n3A_40, %select_n3A_54, %mul3A_72] : memref<4x4x16384xf32, #tpu.memory_space<hbm>> -> memref<1x1x8192xf32, #tpu.memory_space<hbm>>
    %dma_wait3A_78 = tpu.memref_squeeze %dma_wait3A_77 : memref<1x1x8192xf32, #tpu.memory_space<hbm>> -> memref<8192xf32, #tpu.memory_space<hbm>>
    tpu.wait_dma2 semaphore(%arg5 : memref<!tpu.dma_semaphore, #tpu.memory_space<semaphore_mem>>) src(%dma_wait3A_78 : memref<8192xf32, #tpu.memory_space<hbm>>) dst(%arg4 : memref<8192xf32, #tpu.memory_space<vmem>>)
    %dma_start3A_79 = tpu.memref_slice %arg3[%select_n3A_40, %select_n3A_54, %mul3A_72] : memref<4x4x16384xf32, #tpu.memory_space<hbm>> -> memref<1x1x8192xf32, #tpu.memory_space<hbm>>
    %dma_start3A_80 = tpu.memref_squeeze %dma_start3A_79 : memref<1x1x8192xf32, #tpu.memory_space<hbm>> -> memref<8192xf32, #tpu.memory_space<hbm>>
    %dma_start3A_81 = tpu.memref_slice %arg3[%select_n3A_40, %select_n3A_54, %mul3A_72] : memref<4x4x16384xf32, #tpu.memory_space<hbm>> -> memref<1x1x8192xf32, #tpu.memory_space<hbm>>
    %dma_start3A_82 = tpu.memref_squeeze %dma_start3A_81 : memref<1x1x8192xf32, #tpu.memory_space<hbm>> -> memref<8192xf32, #tpu.memory_space<hbm>>
    tpu.enqueue_dma source(%arg4 : memref<8192xf32, #tpu.memory_space<vmem>>) target(%dma_start3A_82 : memref<8192xf32, #tpu.memory_space<hbm>>) target_semaphore(%arg6 : memref<!tpu.dma_semaphore, #tpu.memory_space<semaphore_mem>>)
    %dma_wait3A_83 = tpu.memref_slice %arg3[%select_n3A_40, %select_n3A_54, %mul3A_72] : memref<4x4x16384xf32, #tpu.memory_space<hbm>> -> memref<1x1x8192xf32, #tpu.memory_space<hbm>>
    %dma_wait3A_84 = tpu.memref_squeeze %dma_wait3A_83 : memref<1x1x8192xf32, #tpu.memory_space<hbm>> -> memref<8192xf32, #tpu.memory_space<hbm>>
    %dma_wait3A_85 = tpu.memref_slice %arg3[%select_n3A_40, %select_n3A_54, %mul3A_72] : memref<4x4x16384xf32, #tpu.memory_space<hbm>> -> memref<1x1x8192xf32, #tpu.memory_space<hbm>>
    %dma_wait3A_86 = tpu.memref_squeeze %dma_wait3A_85 : memref<1x1x8192xf32, #tpu.memory_space<hbm>> -> memref<8192xf32, #tpu.memory_space<hbm>>
    tpu.wait_dma2 semaphore(%arg6 : memref<!tpu.dma_semaphore, #tpu.memory_space<semaphore_mem>>) src(%arg4 : memref<8192xf32, #tpu.memory_space<vmem>>) dst(%dma_wait3A_86 : memref<8192xf32, #tpu.memory_space<hbm>>)
    return
  }
}

</mosaic_0001>

<sc_bundles>
// kernel: kernel.3.cloned.1.call-start
scs
__scs_entry_jumppad:
0x0: {  	(pc) =	sbr.rel $0x88, $3  }
0x1: {  	(tag) =	ssettag $0x0;
	lr =	simm.s32 $0x1  }
0x2: {  	[smem:$0x3FA0] =	sst lr;
	_ =	strace $0xD0000000  }
0x3: {  	_ = 	snop  }
0x4: {  	_ = 	snop  }
0x5: {  	_ = 	snop  }
0x6: {  	_ = 	snop  }
0x7: {  	_ = 	snop  }
__scs_overlays_trampoline_lowered:
0x8: {  	[smem:$0x3FAF] =	sst s0  }
0x9: {  	[smem:$0x3FB0] =	sst s1  }
0xa: {  	[smem:$0x3FB1] =	sst s2  }
0xb: {  	[smem:$0x3FB2] =	sst s3  }
0xc: {  	[smem:$0x3FB3] =	sst s4  }
0xd: {  	[smem:$0x3FB4] =	sst s5  }
0xe: {  	[smem:$0x3FB5] =	sst s6  }
0xf: {  	[smem:$0x3FB6] =	sst s7  }
0x10: {  	[smem:$0x3FB7] =	sst s8  }
0x11: {  	[smem:$0x3FB8] =	sst s9;
	s0 =	simm.s32 @!p0 $0x0  }
0x12: {  	s1 =	sld [smem:$0x3F9E];
	s0 =	simm.s32 @p0 $0x1  }
0x13: {  	[smem:$0x3FB9] =	sst s0;
	s0 =	simm.s32 @!p1 $0x0  }
0x14: {  	s2 =	sld [smem:$0x3F9D];
	s0 =	simm.s32 @p1 $0x1  }
0x15: {  	[smem:$0x3FBA] =	sst s0;
	s0 =	simm.s32 @!p2 $0x0  }
0x16: {  	s3 =	sld [smem:$0x3FDB];
	s0 =	simm.s32 @p2 $0x1  }
0x17: {  	s4 =	simm.s32 $0x1BF5;
	[smem:$0x3FBC] =	sst s0  }
0x18: {  	s0 =	sld [smem:$0x3F9F];
	_ =	swait.ge [sflag:s4], $0x0  }
0x19: {  	s7 =	sld [smem:$0x3FA0]  }
0x1a: {  	s8 =	sadd.s32 $0xFFFFE003, lr  }
0x1b: {  	s9 =	sadd.s32 $0xFFFFFEF7, lr;
	s5 =	simm.s32 $0xFFFFFFFF;
	p2 =	slt.u32 s8, $0xFFFFF086  }
0x1c: {  	p1 =	slt.u32 s9, $0xF7A;
	s5 =	simm.s32 @!p2 $0x0  }
0x1d: {  	s5 =	simm.s32 @p1 $0x1;
	p0 =	seq.s32 s7, s2  }
0x1e: {  	s7 =	smul.u32 @!p0 $0xF7A, s2;
	p2 =	seq.s32 @!p0 s5, $0x0  }
0x1f: {  	s9 =	smul.u32 $0xF7A, s1;
	s8 =	simm.s32 @!p0 $0x1BF5;
	p2 =	por !p2, p0  }
0x20: {  	[sflag:s8] =	ssyncset.s32 @!p0 $0xFFFFF086;
	s6 =	sadd.s32 @!p0 s3, s7;
	s7 =	simm.s32 @!p0 $0x108  }
0x21: {  	s3 =	sadd.s32 s3, s9;
	s6 =	sadd.s32 @!p0 $0x88, s6;
	s7 =	simm.s32 @p2 $0x1082  }
0x22: {  	[simem:s7], [sflag:s8] =	dma.local @!p0 [hbm:s6], $0xF7A  }
0x23: {  	s9 =	sor.u32 $0xD0000000, s2;
	s6 =	simm.s32 $0x108;
	_ =	swait.ge @!p0 [sflag:s8], $0x0  }
0x24: {  	s3 =	sadd.s32 $0x88, s3;
	s6 =	simm.s32 @!p1 $0x1082;
	[sflag:s4] =	ssyncset.s32 $0xFFFFF086  }
0x25: {  	[simem:s6], [sflag:s4] =	dma.local [hbm:s3], $0xF7A  }
0x26: {  	[smem:$0x3FA0] =	sst s1;
	(tag) =	ssettag s2;
	_ =	strace s9  }
0x27: {  	s1 =	sld [smem:$0x3FB0]  }
0x28: {  	s2 =	sld [smem:$0x3FB1]  }
0x29: {  	s4 =	sld [smem:$0x3FB3]  }
0x2a: {  	p0 =	seq.s32 s5, $0x0;
	s5 =	sld [smem:$0x3FB4]  }
0x2b: {  	s6 =	sld [smem:$0x3FB5]  }
0x2c: {  	s7 =	sld [smem:$0x3FB6]  }
0x2d: {  	s3 =	simm.s32 $0x108;
	s8 =	sld [smem:$0x3FB7]  }
0x2e: {  	s3 =	simm.s32 @!p0 $0x1082;
	s9 =	sld [smem:$0x3FB8]  }
0x2f: {  	lr =	sadd.s32 s0, s3;
	s0 =	sld [smem:$0x3FAF]  }
0x30: {  	s3 =	sld [smem:$0x3FB2]  }
0x31: {  	[smem:$0x3FBB] =	sst s10  }
0x32: {  	s10 =	sld [smem:$0x3FB9];
	_ =	sdelay $0x3  }
0x33: {  	p0 =	seq.s32 s10, $0x1;
	s10 =	sld [smem:$0x3FBB];
	_ =	sdelay $0x3  }
0x34: {  	[smem:$0x3FBB] =	sst s10  }
0x35: {  	s10 =	sld [smem:$0x3FBA];
	_ =	sdelay $0x3  }
0x36: {  	p1 =	seq.s32 s10, $0x1;
	s10 =	sld [smem:$0x3FBB];
	_ =	sdelay $0x3  }
0x37: {  	[smem:$0x3FBB] =	sst s10  }
0x38: {  	s10 =	sld [smem:$0x3FBC]  }
0x39: {  	_ = 	snop;
	(pc) =	sbr.ind lr, $3  }
0x3a: {  	_ = 	snop  }
0x3b: {  	_ = 	snop  }
0x3c: {  	p2 =	seq.s32 s10, $0x1;
	s10 =	sld [smem:$0x3FBB]  }
0x3d: {  	_ =	shalt  }
0x3e: {  	_ =	shalt  }
0x3f: {  	_ =	shalt  }
0x40: {  	_ =	shalt  }
0x41: {  	_ =	shalt  }
0x42: {  	_ =	shalt  }
0x43: {  	_ =	shalt  }
0x44: {  	_ =	shalt  }
0x45: {  	_ =	shalt  }
0x46: {  	_ =	shalt  }
0x47: {  	_ =	shalt  }
0x48: {  	_ =	shalt  }
0x49: {  	_ =	shalt  }
0x4a: {  	_ =	shalt  }
0x4b: {  	_ =	shalt  }
0x4c: {  	_ =	shalt  }
0x4d: {  	_ =	shalt  }
0x4e: {  	_ =	shalt  }
0x4f: {  	_ =	shalt  }
0x50: {  	_ =	shalt  }
0x51: {  	_ =	shalt  }
0x52: {  	_ =	shalt  }
0x53: {  	_ =	shalt  }
0x54: {  	_ =	shalt  }
0x55: {  	_ =	shalt  }
0x56: {  	_ =	shalt  }
0x57: {  	_ =	shalt  }
0x58: {  	_ =	shalt  }
0x59: {  	_ =	shalt  }
0x5a: {  	_ =	shalt  }
0x5b: {  	_ =	shalt  }
0x5c: {  	_ =	shalt  }
0x5d: {  	_ =	shalt  }
0x5e: {  	_ =	shalt  }
0x5f: {  	_ =	shalt  }
0x60: {  	_ =	shalt  }
0x61: {  	_ =	shalt  }
0x62: {  	_ =	shalt  }
0x63: {  	_ =	shalt  }
0x64: {  	_ =	shalt  }
0x65: {  	_ =	shalt  }
0x66: {  	_ =	shalt  }
0x67: {  	_ =	shalt  }
0x68: {  	_ =	shalt  }
0x69: {  	_ =	shalt  }
0x6a: {  	_ =	shalt  }
0x6b: {  	_ =	shalt  }
0x6c: {  	_ =	shalt  }
0x6d: {  	_ =	shalt  }
0x6e: {  	_ =	shalt  }
0x6f: {  	_ =	shalt  }
0x70: {  	_ =	shalt  }
0x71: {  	_ =	shalt  }
0x72: {  	_ =	shalt  }
0x73: {  	_ =	shalt  }
0x74: {  	_ =	shalt  }
0x75: {  	_ =	shalt  }
0x76: {  	_ =	shalt  }
0x77: {  	_ =	shalt  }
0x78: {  	_ =	shalt  }
0x79: {  	_ =	shalt  }
0x7a: {  	_ =	shalt  }
0x7b: {  	_ =	shalt  }
0x7c: {  	_ =	shalt  }
0x7d: {  	_ =	shalt  }
0x7e: {  	_ =	shalt  }
0x7f: {  	_ =	shalt  }
0x80: {  	_ =	shalt  }
0x81: {  	_ =	shalt  }
0x82: {  	_ =	shalt  }
0x83: {  	_ =	shalt  }
0x84: {  	_ =	shalt  }
0x85: {  	_ =	shalt  }
0x86: {  	_ =	shalt  }
0x87: {  	_ =	shalt  }
.Lfunc_end0:
.L_simem_size_0:
called_computation_lowered:
.L_overlay_start_0:
0x88: {  	s2 =	sld [smem:$0x3FD9]  }
0x89: {  	s3 =	sld [smem:$0x3FFE];
	_ =	sdelay $0x1  }
0x8a: {  	s1 =	srdreg.scid  }
0x8b: {  	s0 =	sand.u32 $0x1, s1  }
0x8c: {  	s18 =	sshll.u32 s0, $0xA;
	s2 =	sadd.s32 s3, s2  }
0x8d: {  	s2 =	sadd.s32 s2, s18  }
0x8e: {  	[smem:$0x3FC7] =	sst s2  }
0x8f: {  	_ = 	snop  }
0x90: {  	s2 =	sld [smem:$0x3FC9]  }
0x91: {  	s19 =	sld [smem:$0x3FD0];
	(tm) =	ssettm $0x1  }
0x92: {  	s4 =	sld [smem:$0x3FFB];
	_ =	sdelay $0x3  }
0x93: {  	_ =	strace s4  }
0x94: {  	s4 =	sld [smem:$0x3FFC];
	_ =	sdelay $0x3  }
0x95: {  	_ =	strace s4  }
0x96: {  	s4 =	sld [smem:$0x3FFD];
	_ =	sdelay $0x3  }
0x97: {  	_ =	strace s4  }
0x98: {  	_ =	strace $0x8FFFFFFF  }
0x99: {  	s20 =	sld [smem:$0x3FDB];
	_ =	sdelay $0x1  }
0x9a: {  	s5 =	simm.s32 $_scs_section_size  }
0x9b: {  	s6 =	simm.s32 $_size__tile_overlayer_lowered;
	s7 =	simm.s32 $_tile_overlayer_lowered  }
0x9c: {  	s23 =	simm.s32 $0x1BFF;
	s22 =	sshll.u32 s7, $0x1;
	s4 =	sadd.s32 s5, s20  }
0x9d: {  	s8 =	simm.s32 $0x0;
	s21 =	sshll.u32 s6, $0x1;
	s6 =	sadd.s32 s22, s4  }
0x9e: {  	[timem:s8], [sflag:s23] =	dma.local [hbm:s6], s21  }
0x9f: {  	_ =	swait.ge [sflag:s23], s21  }
0xa0: {  	s5 =	ssub.s32 $0x0, s21;
	[sflag:s23] =	ssyncset.done $0x0  }
0xa1: {  	[sflag:s23] =	ssyncadd.s32 s5;
	_ =	sdelay $0x1  }
0xa2: {  	s24 =	simm.s32 $0x1B8B  }
0xa3: {  	_ =	swait.ge [sflag:s24], $0x1  }
0xa4: {  	[sflag:s24] =	ssyncset.done $0x0  }
0xa5: {  	s25 =	simm.s32 $0x1B8E;
	[sflag:s24] =	ssyncadd.s32 $0xFFFFFFFF  }
0xa6: {  	s26 =	simm.s32 $execute0_lowered;
	[smem:$0x3FD2] =	sst s25  }
0xa7: {  	s5 =	sshll.u32 s26, $0x1;
	_ =	strace $0x80000046;
	[dreg:$0x1] =	wrdreg $0xFFFFFFFF  }
0xa8: {  	s28 =	simm.s32 $_size_execute0_lowered;
	s4 =	sadd.s32 s4, s5;
	[dreg:$0x0] =	wrdreg $0x0  }
0xa9: {  	s5 =	sshll.u32 s28, $0x1;
	[dreg:$0x2] =	wrdreg s4  }
0xaa: {  	[dreg:$0x3] =	wrdreg s5  }
0xab: {  	[dreg:$0x4] =	wrdreg $0xC0  }
0xac: {  	_ =	task [dreg:s8], $0x5FFFF  }
0xad: {  	[dreg:$0x1] =	wrdreg $0xFFFFFFFF  }
0xae: {  	[dreg:$0x0] =	wrdreg $0x60  }
0xaf: {  	[dreg:$0x2] =	wrdreg s2  }
0xb0: {  	[dreg:$0x3] =	wrdreg s19  }
0xb1: {  	[dreg:$0x4] =	wrdreg $0x9  }
0xb2: {  	_ =	task.clear_ibuf [dreg:s8], $0x5FFFF;
	_ =	strace $0x90000046  }
0xb3: {  	s29 =	simm.s32 $0x9;
	_ =	strace $0x80000048  }
0xb4: {  	_ =	swait.ge [sflag:s29], $0x1  }
0xb5: {  	[sflag:s29] =	ssyncadd.s32 $0xFFFFFFFF  }
0xb6: {  	_ =	strace $0x90000048  }
0xb7: {  	_ =	sfence  }
0xb8: {  	s30 =	sld [smem:$0x0];
	_ =	sdelay $0x2  }
0xb9: {  	s31 =	sshll.u32 s1, $0xD;
	s1 =	sshrl.u32 s1, $0x2  }
0xba: {  	s3 =	sand.u32 $0x4000, s31;
	s1 =	sadd.s32 s1, s30  }
0xbb: {  	s0 =	sor.u32 s3, s0;
	s1 =	sshll.u32 s1, $0x11  }
0xbc: {  	s0 =	sor.u32 s1, s0  }
0xbd: {  	s0 =	sadd.s32 $0x8F2B, s0  }
0xbe: {  	[sflag:s0] =	ssyncadd.remote.s32 $0x1  }
0xbf: {  	_ =	sfence.sel $0xFFFF  }
0xc0: {  	[dreg:$0x0] =	wrdreg $0xFFFFFFFF;
	(pc) =	sbr.abs _section_cstart, $3  }
0xc1: {  	[dreg:$0x1] =	wrdreg $0xFFFFFFFF  }
0xc2: {  	_ =	task.clear_ibuf [dreg:s8], $0x2FFFF;
	_ =	strace $0x9FFFFFFF  }
0xc3: {  	(tm) =	ssettm $0x7FFFFFFF  }
tec
execute0_lowered:
.L_overlay_start_1:
0x0: {  	(tag) =	ssettag $0x1  }
0x1: {  	s1 =	srdreg.scid  }
0x2: {  	s0 =	stileid.u32;
	s3 =	sand.u32 $0x1, s1  }
0x3: {  	s1 =	sor.u32 s3, s0  }
0x4: {  	p1 =	seq.s32 s3, $0x1;
	p0 =	seq.s32 s1, $0x0  }
0x5: {  	p0 =	por !p0, !p1  }
0x6: {  	s1 =	simm.s32 $0x1;
	p0 =	por !p0, !p0  }
0x7: {  	s1 =	simm.s32 @!p0 $0x0  }
0x8: {  	s1 =	ssub.s32 s0, s1  }
0x9: {  	s2 =	sand.u32 $0xC0, s1  }
0xa: {  	s2 =	sshrl.u32 s2, $0x6  }
0xb: {  	s2 =	sadd.s32 s2, s1  }
0xc: {  	s4 =	sand.u32 $0xFFFFFFFC, s2  }
0xd: {  	s4 =	ssub.s32 s1, s4  }
0xe: {  	p5 =	slt.s32 s1, $0x1;
	p6 =	sne.s32 s4, $0x0  }
0xf: {  	s5 =	rddreg [dreg:$0x0];
	s6 =	simm.s32 $0x1;
	p0 =	por !p5, !p6  }
0x10: {  	s7 =	rddreg [dreg:$0x1];
	s29 =	sshll.u32 s3, $0xF;
	p0 =	por !p0, !p0  }
0x11: {  	s30 =	ssub.s32 $0x2, s3;
	s8 =	sshrl.u32 s2, $0x2;
	s6 =	simm.s32 @!p0 $0x0  }
0x12: {  	s3 =	simm.s32 $0x1;
	s10 =	sshrl.u32 s30, $0x1;
	s6 =	ssub.s32 s8, s6  }
0x13: {  	s2 =	simm.s32 $0x0;
	s4 =	sshll.u32 s4, $0x7;
	s6 =	sshll.u32 s6, $0x10  }
0x14: {  	s1 =	rddreg [dreg:$0x2];
	s4 =	sand.u32 $0x180, s4;
	s6 =	sor.u32 s29, s6  }
0x15: {  	[smem:$0x7FF] =	sst s2;
	s8 =	ssub.s32 s30, s10;
	s4 =	sor.u32 s4, s6  }
0x16: {  	_ =	strace $0x80000047;
	s31 =	smax.u32 s8, $0x1;
	s9 =	sshrl.u32 s4, $0x3  }
0x17: {  	s6 =	simm.s32 $0x200;
	s4 =	sadd.s32 s5, s9;
	s5 =	simm.s32 $0x80  }
0x18: {  	[tilespmem:s2], [sflag:$0x1] =	stream.strided.gather [hbm4b:s4+s5], $0x2000, s6, s5, $0x38;
	[tilespmem:$0x2000] =	vst v63  }
0x19: {  	p0 =	sne.s32 s31, $0x1;
	_ =	swait.ge [sflag:s3], $0x2000  }
.Ltmp0:
0x1a: {  	[sflag:s3] =	ssyncset.done $0x0;
	(pc) =	sbr.rel @!p0 .LBB2_2-.Ltmp0, $4  }
0x1b: {  	s8 =	simm.s32 $0x2;
	s7 =	sadd.s32 s7, s9;
	[sflag:s3] =	ssyncadd.s32 $0xFFFFE000  }
0x1c: {  	[hbm4b:s7+s5] =	stream.strided.scatter [tilespmem:s2], [sflag:$0x2], $0x2000, s6, s5, $0x38;
	[tilespmem:$0x2000] =	vst v63  }
0x1d: {  	_ =	swait.ge [sflag:s8], $0x2000  }
0x1e: {  	s9 =	sadd.s32 $0xFFFFFFFF, s31;
	[sflag:s8] =	ssyncset.done $0x0  }
.LBB2_1:
0x1f: {  	p0 =	sne.s32 s9, $0x1;
	s9 =	sadd.s32 $0xFFFFFFFF, s9;
	[sflag:s8] =	ssyncadd.s32 $0xFFFFE000  }
0x20: {  	[tilespmem:s2], [sflag:$0x1] =	stream.strided.gather [hbm4b:s4+s5], $0x2000, s6, s5, $0x38;
	[tilespmem:$0x2000] =	vst v63  }
0x21: {  	_ =	swait.ge [sflag:s3], $0x2000  }
.Ltmp1:
0x22: {  	[sflag:s3] =	ssyncset.done $0x0;
	(pc) =	sbr.rel @p0 .LBB2_1-.Ltmp1, $4  }
0x23: {  	[sflag:s3] =	ssyncadd.s32 $0xFFFFE000  }
0x24: {  	[hbm4b:s7+s5] =	stream.strided.scatter [tilespmem:s2], [sflag:$0x2], $0x2000, s6, s5, $0x38;
	[tilespmem:$0x2000] =	vst v63  }
0x25: {  	_ =	swait.ge [sflag:s8], $0x2000  }
0x26: {  	[sflag:s8] =	ssyncset.done $0x0  }
.LBB2_2:
0x27: {  	[sflag:s8] =	ssyncadd.s32 $0xFFFFE000  }
0x28: {  	_ =	sfence.sel $0x180000  }
0x29: {  	[bflag:$0x0] =	sbarrier.arrive $0xFFFF  }
0x2a: {  	p0 =	sne.s32 s0, $0x0;
	_ =	strace $0x90000047  }
0x2b: {  	s0 =	sadd.s32 @!p0 $0x100000, s1;
	[bflag:$0x2] =	sbarrier.arrive $0xFFFF  }
0x2c: {  	[sflag:s0] =	ssyncadd.tile.s32 @!p0 $0x1;
	_ =	shalt  }
.Lfunc_end2:
_tile_overlayer_lowered:
.L_overlay_start_2:
0x2d: {  	(tag) =	ssettag $0x2  }
0x2e: {  	s0 =	rddreg [dreg:$0x0];
	s2 =	stileid.u32  }
0x2f: {  	s1 =	rddreg [dreg:$0x1];
	p0 =	sne.s32 s2, $0x0  }
0x30: {  	s3 =	rddreg [dreg:$0x2];
	[bflag:$0x3] =	sbarrier.arrive $0xFFFF;
	s2 =	simm.s32 @!p0 $0x1C03  }
0x31: {  	[timem:s3], [sflag:s2] =	dma.local @!p0 [hbm:s0], s1  }
0x32: {  	s0 =	simm.s32 @!p0 $0x3  }
0x33: {  	_ =	swait.ge @!p0 [sflag:s0], s1  }
0x34: {  	s1 =	ssub.s32 @!p0 $0x0, s1;
	[sflag:s0] =	ssyncset.done @!p0 $0x0  }
0x35: {  	[sflag:s0] =	ssyncadd.s32 @!p0 s1  }
0x36: {  	[bflag:$0x3] =	sbarrier.arrive $0xFFFF  }
0x37: {  	_ =	shalt  }

</sc_bundles>
